<compile_context>
chip_gen: v7x
topology: tpu7x:2x2x1
jax: 0.10.2.dev20260603
libtpu: 0.0.44.dev20260713+nightly
codegen_flags: <defaults>
</compile_context>

<pallas_src>
import functools

import jax
import jax.numpy as jnp
from jax import lax
from jax.experimental import pallas as pl
from jax.experimental.pallas import tpu as pltpu
from jax.experimental.pallas import tpu_sc as plsc

NUM_CODES = 1024
CODE_DIM = 64

TM = 1024
NC, NS = 2, 16
NW = NC * NS
TPW = 1024 // NW


def _tc_body(z_ref, cb_ref, idx_ref):
    z = z_ref[...]
    cb = cb_ref[...]
    K = NUM_CODES
    T = z.shape[0]
    cb_hi = cb.astype(jnp.bfloat16)
    r_hi = cb - cb_hi.astype(jnp.float32)
    cb_mid = r_hi.astype(jnp.bfloat16)
    cb_lo = (r_hi - cb_mid.astype(jnp.float32)).astype(jnp.bfloat16)
    cn = jnp.sum(cb * cb, axis=1, keepdims=True)
    cn_hi = cn.astype(jnp.bfloat16)
    cn_mid = (cn - cn_hi.astype(jnp.float32)).astype(jnp.bfloat16)
    cn_lo = (cn - cn_hi.astype(jnp.float32)
             - cn_mid.astype(jnp.float32)).astype(jnp.bfloat16)
    neg2 = jnp.bfloat16(-2.0)
    cb4 = jnp.concatenate([neg2 * cb_hi, neg2 * cb_hi, neg2 * cb_mid,
                           cn_hi, cn_mid, cn_lo], axis=1)
    z_hi = z.astype(jnp.bfloat16)
    z_lo = (z - z_hi.astype(jnp.float32)).astype(jnp.bfloat16)
    ones = jnp.ones((T, 3), jnp.bfloat16)
    z4 = jnp.concatenate([z_hi, z_lo, z_hi, ones], axis=1)
    S = lax.dot_general(z4, cb4, (((1,), (1,)), ((), ())),
                        preferred_element_type=jnp.float32)
    iota = lax.broadcasted_iota(jnp.int32, (T, K), 1)
    m1 = jnp.min(S, axis=1, keepdims=True)
    i1 = jnp.min(jnp.where(S == m1, iota, K), axis=1, keepdims=True)
    S2 = jnp.where(iota == i1, jnp.inf, S)
    m2 = jnp.min(S2, axis=1, keepdims=True)
    i2 = jnp.min(jnp.where(S2 == m2, iota, K), axis=1, keepdims=True)
    oh1 = (iota == i1).astype(jnp.bfloat16)
    oh2 = (iota == i2).astype(jnp.bfloat16)
    dn = (((1,), (0,)), ((), ()))

    def orow(oh):
        return (lax.dot_general(oh, cb_hi, dn, preferred_element_type=jnp.float32)
                + lax.dot_general(oh, cb_mid, dn, preferred_element_type=jnp.float32)
                + lax.dot_general(oh, cb_lo, dn, preferred_element_type=jnp.float32))

    r1 = orow(oh1)
    r2 = orow(oh2)
    d1 = jnp.sqrt(jnp.sum((z - r1) ** 2, axis=1, keepdims=True))
    d2 = jnp.sqrt(jnp.sum((z - r2) ** 2, axis=1, keepdims=True))
    take2 = (d2 < d1) | ((d2 == d1) & (i2 < i1))
    idx_ref[...] = jnp.where(take2, i2, i1)


def _sc_body(cb_hbm, idx_hbm, zq_out, idx_v, zq_v, sem):
    wid = lax.axis_index("s") * NC + lax.axis_index("c")
    base = wid * TPW
    pltpu.async_copy(idx_hbm.at[pl.ds(base, TPW)], idx_v, sem).wait()
    pltpu.async_copy(cb_hbm.at[idx_v], zq_v, sem).wait()
    pltpu.sync_copy(zq_v, zq_out.at[pl.ds(base, TPW)])


def kernel(z_e, codebook):
    B, S_len, D = z_e.shape
    T = B * S_len
    z2 = z_e.reshape(T, D)
    idx = pl.pallas_call(
        _tc_body,
        grid=(T // TM,),
        in_specs=[
            pl.BlockSpec((TM, D), lambda i: (i, 0)),
            pl.BlockSpec((NUM_CODES, D), lambda i: (0, 0)),
        ],
        out_specs=pl.BlockSpec((TM, 1), lambda i: (i, 0)),
        out_shape=jax.ShapeDtypeStruct((T, 1), jnp.int32),
    )(z2, codebook)

    sc_gather = functools.partial(
        pl.kernel,
        out_type=jax.ShapeDtypeStruct((T, D), jnp.float32),
        mesh=plsc.VectorSubcoreMesh(core_axis_name="c", subcore_axis_name="s",
                                    num_cores=NC, num_subcores=NS),
        compiler_params=pltpu.CompilerParams(needs_layout_passes=False,
                                             use_tc_tiling_on_sc=False,
                                             disable_bounds_checks=True,
                                             disable_semaphore_checks=True),
        scratch_types=[
            pltpu.VMEM((TPW,), jnp.int32),
            pltpu.VMEM((TPW, D), jnp.float32),
            pltpu.SemaphoreType.DMA,
        ],
    )(_sc_body)
    zq = sc_gather(codebook, idx.reshape(T))
    return (zq.reshape(B, S_len, D), idx.reshape(B, S_len))

# --- scband reference (transcript-rebuilt; emitter-appended) ---
"""Pipeline reference for scband-lfqquantizer-25409026523969 (READ-ONLY COPY).

The authoritative reference and input builder live on the scoring server;
editing this copy changes nothing except your own understanding.
"""

import jax, jax.numpy as jnp
import numpy as np

NUM_CODES = 1024
CODE_DIM = 64

def setup_inputs(seed: int = 0) -> dict:
    key = jax.random.key(seed)
    k1, k2 = jax.random.split(key)
    z_e = jax.random.normal(k1, (4, 256, CODE_DIM), dtype=jnp.float32)
    # kaiming_uniform_ on codebook: bound = sqrt(6 / fan_in), fan_in = code_dim
    bound = float(np.sqrt(6.0 / CODE_DIM))
    codebook = jax.random.uniform(k2, (NUM_CODES, CODE_DIM), minval=-bound, maxval=bound, dtype=jnp.float32)
    return {"z_e": z_e, "codebook": codebook}

def reference(z_e, codebook):
    # z_e: [B, S, D]; codebook: [K, D]
    z_e_expanded = z_e[:, :, None, :]                 # [B, S, 1, D]
    codebook_expanded = codebook[None, None, :, :]    # [1, 1, K, D]
    distances = jnp.linalg.norm(z_e_expanded - codebook_expanded, axis=-1)  # [B, S, K]
    indices = jnp.argmin(distances, axis=-1)          # [B, S]
    z_q = jnp.take(codebook, indices, axis=0)         # [B, S, D]
    return (z_q, indices)

if __name__ == "__main__":
    import jax
    _d = setup_inputs()
    print(jax.jit(kernel)(*tuple(_d.values())))

</pallas_src>

<mosaic_0001>
#map = affine_map<(d0, d1) -> (0, 0)>
#map1 = affine_map<(d0, d1) -> (0)>
module attributes {stable_mosaic.version = 14 : i64} {
  func.func @_sc_body(%arg0: i32, %arg1: i32, %arg2: memref<1024x64xf32, #tpu.memory_space<hbm>>, %arg3: memref<1024xi32, #tpu.memory_space<hbm>>, %arg4: memref<1024x64xf32, #tpu.memory_space<hbm>>, %arg5: memref<32xi32, #tpu.memory_space<vmem>>, %arg6: memref<32x64xf32, #tpu.memory_space<vmem>>, %arg7: memref<!tpu.dma_semaphore, #tpu.memory_space<semaphore_mem>>) attributes {dimension_semantics = [#tpu.dimension_semantics<core_parallel>, #tpu.dimension_semantics<subcore_parallel>], iteration_bounds = array<i64: 2, 16>, scalar_prefetch = 0 : i64, scratch_operands = 3 : i64, tpu.core_type = #tpu.core_type<sc_vector_subcore>, window_params = [{transform_indices = #map}, {transform_indices = #map1}, {transform_indices = #map}]} {
    %mul3A = arith.constant 2 : i32
    %mul3A_0 = arith.muli %arg1, %mul3A : i32
    %add3A = arith.addi %mul3A_0, %arg0 : i32
    %mul3A_1 = arith.constant 32 : i32
    %mul3A_2 = arith.muli %add3A, %mul3A_1 : i32
    %dma_start3A = tpu.memref_slice %arg3[%mul3A_2] : memref<1024xi32, #tpu.memory_space<hbm>> -> memref<32xi32, #tpu.memory_space<hbm>>
    %dma_start3A_3 = tpu.memref_slice %arg3[%mul3A_2] : memref<1024xi32, #tpu.memory_space<hbm>> -> memref<32xi32, #tpu.memory_space<hbm>>
    tpu.enqueue_dma source(%dma_start3A_3 : memref<32xi32, #tpu.memory_space<hbm>>) target(%arg5 : memref<32xi32, #tpu.memory_space<vmem>>) target_semaphore(%arg7 : memref<!tpu.dma_semaphore, #tpu.memory_space<semaphore_mem>>)
    %dma_wait3A = tpu.memref_slice %arg3[%mul3A_2] : memref<1024xi32, #tpu.memory_space<hbm>> -> memref<32xi32, #tpu.memory_space<hbm>>
    %dma_wait3A_4 = tpu.memref_slice %arg3[%mul3A_2] : memref<1024xi32, #tpu.memory_space<hbm>> -> memref<32xi32, #tpu.memory_space<hbm>>
    tpu.wait_dma2 semaphore(%arg7 : memref<!tpu.dma_semaphore, #tpu.memory_space<semaphore_mem>>) src(%dma_wait3A_4 : memref<32xi32, #tpu.memory_space<hbm>>) dst(%arg5 : memref<32xi32, #tpu.memory_space<vmem>>)
    %dma_start3A_5 = arith.constant 0 : i32
    %dma_start3A_6 = arith.constant 0 : i32
    %dma_start3A_7 = tpu.memref_slice %arg2[%dma_start3A_5, %dma_start3A_6] : memref<1024x64xf32, #tpu.memory_space<hbm>> -> memref<1024x64xf32, #tpu.memory_space<hbm>>
    tpu.enqueue_indirect_dma source(%dma_start3A_7 : memref<1024x64xf32, #tpu.memory_space<hbm>>) target(%arg6 : memref<32x64xf32, #tpu.memory_space<vmem>>) offsets(%arg5 : memref<32xi32, #tpu.memory_space<vmem>>) semaphore(%arg7 : memref<!tpu.dma_semaphore, #tpu.memory_space<semaphore_mem>>)
    %dma_wait3A_8 = arith.constant 0 : i32
    %dma_wait3A_9 = arith.constant 0 : i32
    %dma_wait3A_10 = tpu.memref_slice %arg2[%dma_wait3A_8, %dma_wait3A_9] : memref<1024x64xf32, #tpu.memory_space<hbm>> -> memref<1024x64xf32, #tpu.memory_space<hbm>>
    tpu.wait_indirect_dma semaphore(%arg7 : memref<!tpu.dma_semaphore, #tpu.memory_space<semaphore_mem>>) src(%dma_wait3A_10 : memref<1024x64xf32, #tpu.memory_space<hbm>>) dst(%arg6 : memref<32x64xf32, #tpu.memory_space<vmem>>)
    "tpu.region"() ({
      %run_scoped3A = tpu.sem_alloc : memref<!tpu.dma_semaphore, #tpu.memory_space<semaphore_mem>>
      %dma_start3A_11 = arith.constant 0 : i32
      %dma_start3A_12 = tpu.memref_slice %arg4[%mul3A_2, %dma_start3A_11] : memref<1024x64xf32, #tpu.memory_space<hbm>> -> memref<32x64xf32, #tpu.memory_space<hbm>>
      %dma_start3A_13 = arith.constant 0 : i32
      %dma_start3A_14 = tpu.memref_slice %arg4[%mul3A_2, %dma_start3A_13] : memref<1024x64xf32, #tpu.memory_space<hbm>> -> memref<32x64xf32, #tpu.memory_space<hbm>>
      tpu.enqueue_dma source(%arg6 : memref<32x64xf32, #tpu.memory_space<vmem>>) target(%dma_start3A_14 : memref<32x64xf32, #tpu.memory_space<hbm>>) target_semaphore(%run_scoped3A : memref<!tpu.dma_semaphore, #tpu.memory_space<semaphore_mem>>)
      %dma_wait3A_15 = arith.constant 0 : i32
      %dma_wait3A_16 = tpu.memref_slice %arg4[%mul3A_2, %dma_wait3A_15] : memref<1024x64xf32, #tpu.memory_space<hbm>> -> memref<32x64xf32, #tpu.memory_space<hbm>>
      %dma_wait3A_17 = arith.constant 0 : i32
      %dma_wait3A_18 = tpu.memref_slice %arg4[%mul3A_2, %dma_wait3A_17] : memref<1024x64xf32, #tpu.memory_space<hbm>> -> memref<32x64xf32, #tpu.memory_space<hbm>>
      tpu.wait_dma2 semaphore(%run_scoped3A : memref<!tpu.dma_semaphore, #tpu.memory_space<semaphore_mem>>) src(%arg6 : memref<32x64xf32, #tpu.memory_space<vmem>>) dst(%dma_wait3A_18 : memref<32x64xf32, #tpu.memory_space<hbm>>)
      tpu.yield
    }) : () -> ()
    return
  }
}

module attributes {stable_mosaic.version = 14 : i64} {
  func.func @_tc_body(%arg0: i32, %arg1: memref<1024x64xf32, #tpu.memory_space<vmem>>, %arg2: memref<1024x64xf32, #tpu.memory_space<vmem>>, %arg3: memref<1024x1xi32, #tpu.memory_space<vmem>>) attributes {dimension_semantics = [#tpu.dimension_semantics<arbitrary>], iteration_bounds = array<i64: 1>, scalar_prefetch = 0 : i64, scratch_operands = 0 : i64, tpu.core_type = #tpu.core_type<tc>, window_params = [{transform_indices = @transform_0, window_bounds = array<i64: 1024, 64>}, {pipeline_mode = #tpu.pipeline_mode<synchronous>, transform_indices = @transform_1, window_bounds = array<i64: 1024, 64>}, {transform_indices = @transform_2, window_bounds = array<i64: 1024, 1>}]} {
    %get3A = arith.constant 0 : index
    %get3A_0 = arith.constant 0 : index
    %get3A_1 = vector.load %arg1[%get3A, %get3A_0] : memref<1024x64xf32, #tpu.memory_space<vmem>>, vector<1024x64xf32>
    %get3A_2 = arith.constant 0 : index
    %get3A_3 = arith.constant 0 : index
    %get3A_4 = vector.load %arg2[%get3A_2, %get3A_3] : memref<1024x64xf32, #tpu.memory_space<vmem>>, vector<1024x64xf32>
    %convert_element_type3A = arith.truncf %get3A_4 : vector<1024x64xf32> to vector<1024x64xbf16>
    %convert_element_type3A_5 = arith.extf %convert_element_type3A : vector<1024x64xbf16> to vector<1024x64xf32>
    %sub3A = arith.subf %get3A_4, %convert_element_type3A_5 : vector<1024x64xf32>
    %convert_element_type3A_6 = arith.truncf %sub3A : vector<1024x64xf32> to vector<1024x64xbf16>
    %convert_element_type3A_7 = arith.extf %convert_element_type3A_6 : vector<1024x64xbf16> to vector<1024x64xf32>
    %sub3A_8 = arith.subf %sub3A, %convert_element_type3A_7 : vector<1024x64xf32>
    %convert_element_type3A_9 = arith.truncf %sub3A_8 : vector<1024x64xf32> to vector<1024x64xbf16>
    %mul3A = arith.mulf %get3A_4, %get3A_4 : vector<1024x64xf32>
    %reduce_sum3A = arith.constant dense<0.000000e+00> : vector<1024xf32>
    %reduce_sum3A_10 = vector.multi_reduction <add>, %mul3A, %reduce_sum3A [1] : vector<1024x64xf32> to vector<1024xf32>
    %broadcast_in_dim3A = vector.shape_cast %reduce_sum3A_10 : vector<1024xf32> to vector<1024x1xf32>
    %convert_element_type3A_11 = arith.truncf %broadcast_in_dim3A : vector<1024x1xf32> to vector<1024x1xbf16>
    %convert_element_type3A_12 = arith.extf %convert_element_type3A_11 : vector<1024x1xbf16> to vector<1024x1xf32>
    %sub3A_13 = arith.subf %broadcast_in_dim3A, %convert_element_type3A_12 : vector<1024x1xf32>
    %convert_element_type3A_14 = arith.truncf %sub3A_13 : vector<1024x1xf32> to vector<1024x1xbf16>
    %convert_element_type3A_15 = arith.extf %convert_element_type3A_11 : vector<1024x1xbf16> to vector<1024x1xf32>
    %sub3A_16 = arith.subf %broadcast_in_dim3A, %convert_element_type3A_15 : vector<1024x1xf32>
    %convert_element_type3A_17 = arith.extf %convert_element_type3A_14 : vector<1024x1xbf16> to vector<1024x1xf32>
    %sub3A_18 = arith.subf %sub3A_16, %convert_element_type3A_17 : vector<1024x1xf32>
    %convert_element_type3A_19 = arith.truncf %sub3A_18 : vector<1024x1xf32> to vector<1024x1xbf16>
    %mul3A_20 = arith.constant -2.000000e+00 : bf16
    %mul3A_21 = vector.broadcast %mul3A_20 : bf16 to vector<1024x64xbf16>
    %mul3A_22 = arith.mulf %mul3A_21, %convert_element_type3A : vector<1024x64xbf16>
    %mul3A_23 = arith.constant -2.000000e+00 : bf16
    %mul3A_24 = vector.broadcast %mul3A_23 : bf16 to vector<1024x64xbf16>
    %mul3A_25 = arith.mulf %mul3A_24, %convert_element_type3A : vector<1024x64xbf16>
    %mul3A_26 = arith.constant -2.000000e+00 : bf16
    %mul3A_27 = vector.broadcast %mul3A_26 : bf16 to vector<1024x64xbf16>
    %mul3A_28 = arith.mulf %mul3A_27, %convert_element_type3A_6 : vector<1024x64xbf16>
    %concatenate3A = tpu.concatenate %mul3A_22, %mul3A_25, %mul3A_28, %convert_element_type3A_11, %convert_element_type3A_14, %convert_element_type3A_19 in 1 : vector<1024x64xbf16>, vector<1024x64xbf16>, vector<1024x64xbf16>, vector<1024x1xbf16>, vector<1024x1xbf16>, vector<1024x1xbf16> -> vector<1024x195xbf16>
    %convert_element_type3A_29 = arith.truncf %get3A_1 : vector<1024x64xf32> to vector<1024x64xbf16>
    %convert_element_type3A_30 = arith.extf %convert_element_type3A_29 : vector<1024x64xbf16> to vector<1024x64xf32>
    %sub3A_31 = arith.subf %get3A_1, %convert_element_type3A_30 : vector<1024x64xf32>
    %convert_element_type3A_32 = arith.truncf %sub3A_31 : vector<1024x64xf32> to vector<1024x64xbf16>
    %broadcast_in_dim3A_33 = arith.constant 1.000000e+00 : bf16
    %broadcast_in_dim3A_34 = vector.broadcast %broadcast_in_dim3A_33 : bf16 to vector<1024x3xbf16>
    %concatenate3A_35 = tpu.concatenate %convert_element_type3A_29, %convert_element_type3A_32, %convert_element_type3A_29, %broadcast_in_dim3A_34 in 1 : vector<1024x64xbf16>, vector<1024x64xbf16>, vector<1024x64xbf16>, vector<1024x3xbf16> -> vector<1024x195xbf16>
    %dot_general3A = arith.constant dense<0.000000e+00> : vector<1024x1024xf32>
    %dot_general3A_36 = tpu.matmul %concatenate3A_35, %concatenate3A, %dot_general3A {dimension_numbers = #tpu.dot_dimension_numbers<[1], [1], [0], [0], [0, 0, 1, 0], [], []>, transpose_lhs_hint = false} : vector<1024x195xbf16>, vector<1024x195xbf16>, vector<1024x1024xf32> -> vector<1024x1024xf32>
    %iota3A = tpu.iota {dimensions = array<i32: 1>} : vector<1024x1024xi32>
    %reduce_min3A = arith.constant dense<0x7F800000> : vector<1024xf32>
    %reduce_min3A_37 = vector.multi_reduction <minimumf>, %dot_general3A_36, %reduce_min3A [1] : vector<1024x1024xf32> to vector<1024xf32>
    %broadcast_in_dim3A_38 = vector.shape_cast %reduce_min3A_37 : vector<1024xf32> to vector<1024x1xf32>
    %eq3A = vector.broadcast %broadcast_in_dim3A_38 : vector<1024x1xf32> to vector<1024x1024xf32>
    %eq3A_39 = arith.cmpf oeq, %dot_general3A_36, %eq3A : vector<1024x1024xf32>
    %jit3A = arith.constant 1024 : i32
    %broadcast_in_dim3A_40 = vector.broadcast %jit3A : i32 to vector<1024x1024xi32>
    %select_n3A = arith.select %eq3A_39, %iota3A, %broadcast_in_dim3A_40 : vector<1024x1024xi1>, vector<1024x1024xi32>
    %reduce_min3A_41 = arith.constant dense<2147483647> : vector<1024xi32>
    %reduce_min3A_42 = vector.multi_reduction <minsi>, %select_n3A, %reduce_min3A_41 [1] : vector<1024x1024xi32> to vector<1024xi32>
    %broadcast_in_dim3A_43 = vector.shape_cast %reduce_min3A_42 : vector<1024xi32> to vector<1024x1xi32>
    %eq3A_44 = vector.broadcast %broadcast_in_dim3A_43 : vector<1024x1xi32> to vector<1024x1024xi32>
    %eq3A_45 = arith.cmpi eq, %iota3A, %eq3A_44 : vector<1024x1024xi32>
    %jit3A_46 = arith.constant 0x7F800000 : f32
    %broadcast_in_dim3A_47 = vector.broadcast %jit3A_46 : f32 to vector<1024x1024xf32>
    %select_n3A_48 = arith.select %eq3A_45, %broadcast_in_dim3A_47, %dot_general3A_36 : vector<1024x1024xi1>, vector<1024x1024xf32>
    %reduce_min3A_49 = arith.constant dense<0x7F800000> : vector<1024xf32>
    %reduce_min3A_50 = vector.multi_reduction <minimumf>, %select_n3A_48, %reduce_min3A_49 [1] : vector<1024x1024xf32> to vector<1024xf32>
    %broadcast_in_dim3A_51 = vector.shape_cast %reduce_min3A_50 : vector<1024xf32> to vector<1024x1xf32>
    %eq3A_52 = vector.broadcast %broadcast_in_dim3A_51 : vector<1024x1xf32> to vector<1024x1024xf32>
    %eq3A_53 = arith.cmpf oeq, %select_n3A_48, %eq3A_52 : vector<1024x1024xf32>
    %jit3A_54 = arith.constant 1024 : i32
    %broadcast_in_dim3A_55 = vector.broadcast %jit3A_54 : i32 to vector<1024x1024xi32>
    %select_n3A_56 = arith.select %eq3A_53, %iota3A, %broadcast_in_dim3A_55 : vector<1024x1024xi1>, vector<1024x1024xi32>
    %reduce_min3A_57 = arith.constant dense<2147483647> : vector<1024xi32>
    %reduce_min3A_58 = vector.multi_reduction <minsi>, %select_n3A_56, %reduce_min3A_57 [1] : vector<1024x1024xi32> to vector<1024xi32>
    %broadcast_in_dim3A_59 = vector.shape_cast %reduce_min3A_58 : vector<1024xi32> to vector<1024x1xi32>
    %eq3A_60 = vector.broadcast %broadcast_in_dim3A_43 : vector<1024x1xi32> to vector<1024x1024xi32>
    %eq3A_61 = arith.cmpi eq, %iota3A, %eq3A_60 : vector<1024x1024xi32>
    %convert_element_type3A_62 = arith.extui %eq3A_61 : vector<1024x1024xi1> to vector<1024x1024xi32>
    %convert_element_type3A_63 = arith.sitofp %convert_element_type3A_62 : vector<1024x1024xi32> to vector<1024x1024xf32>
    %convert_element_type3A_64 = arith.truncf %convert_element_type3A_63 : vector<1024x1024xf32> to vector<1024x1024xbf16>
    %eq3A_65 = vector.broadcast %broadcast_in_dim3A_59 : vector<1024x1xi32> to vector<1024x1024xi32>
    %eq3A_66 = arith.cmpi eq, %iota3A, %eq3A_65 : vector<1024x1024xi32>
    %convert_element_type3A_67 = arith.extui %eq3A_66 : vector<1024x1024xi1> to vector<1024x1024xi32>
    %convert_element_type3A_68 = arith.sitofp %convert_element_type3A_67 : vector<1024x1024xi32> to vector<1024x1024xf32>
    %convert_element_type3A_69 = arith.truncf %convert_element_type3A_68 : vector<1024x1024xf32> to vector<1024x1024xbf16>
    %dot_general3A_70 = arith.constant dense<0.000000e+00> : vector<1024x64xf32>
    %dot_general3A_71 = tpu.matmul %convert_element_type3A_64, %convert_element_type3A, %dot_general3A_70 {dimension_numbers = #tpu.dot_dimension_numbers<[1], [0], [0], [1], [0, 0, 1, 1], [], []>, transpose_lhs_hint = false} : vector<1024x1024xbf16>, vector<1024x64xbf16>, vector<1024x64xf32> -> vector<1024x64xf32>
    %dot_general3A_72 = arith.constant dense<0.000000e+00> : vector<1024x64xf32>
    %dot_general3A_73 = tpu.matmul %convert_element_type3A_64, %convert_element_type3A_6, %dot_general3A_72 {dimension_numbers = #tpu.dot_dimension_numbers<[1], [0], [0], [1], [0, 0, 1, 1], [], []>, transpose_lhs_hint = false} : vector<1024x1024xbf16>, vector<1024x64xbf16>, vector<1024x64xf32> -> vector<1024x64xf32>
    %add3A = arith.addf %dot_general3A_71, %dot_general3A_73 : vector<1024x64xf32>
    %dot_general3A_74 = arith.constant dense<0.000000e+00> : vector<1024x64xf32>
    %dot_general3A_75 = tpu.matmul %convert_element_type3A_64, %convert_element_type3A_9, %dot_general3A_74 {dimension_numbers = #tpu.dot_dimension_numbers<[1], [0], [0], [1], [0, 0, 1, 1], [], []>, transpose_lhs_hint = false} : vector<1024x1024xbf16>, vector<1024x64xbf16>, vector<1024x64xf32> -> vector<1024x64xf32>
    %add3A_76 = arith.addf %add3A, %dot_general3A_75 : vector<1024x64xf32>
    %dot_general3A_77 = arith.constant dense<0.000000e+00> : vector<1024x64xf32>
    %dot_general3A_78 = tpu.matmul %convert_element_type3A_69, %convert_element_type3A, %dot_general3A_77 {dimension_numbers = #tpu.dot_dimension_numbers<[1], [0], [0], [1], [0, 0, 1, 1], [], []>, transpose_lhs_hint = false} : vector<1024x1024xbf16>, vector<1024x64xbf16>, vector<1024x64xf32> -> vector<1024x64xf32>
    %dot_general3A_79 = arith.constant dense<0.000000e+00> : vector<1024x64xf32>
    %dot_general3A_80 = tpu.matmul %convert_element_type3A_69, %convert_element_type3A_6, %dot_general3A_79 {dimension_numbers = #tpu.dot_dimension_numbers<[1], [0], [0], [1], [0, 0, 1, 1], [], []>, transpose_lhs_hint = false} : vector<1024x1024xbf16>, vector<1024x64xbf16>, vector<1024x64xf32> -> vector<1024x64xf32>
    %add3A_81 = arith.addf %dot_general3A_78, %dot_general3A_80 : vector<1024x64xf32>
    %dot_general3A_82 = arith.constant dense<0.000000e+00> : vector<1024x64xf32>
    %dot_general3A_83 = tpu.matmul %convert_element_type3A_69, %convert_element_type3A_9, %dot_general3A_82 {dimension_numbers = #tpu.dot_dimension_numbers<[1], [0], [0], [1], [0, 0, 1, 1], [], []>, transpose_lhs_hint = false} : vector<1024x1024xbf16>, vector<1024x64xbf16>, vector<1024x64xf32> -> vector<1024x64xf32>
    %add3A_84 = arith.addf %add3A_81, %dot_general3A_83 : vector<1024x64xf32>
    %sub3A_85 = arith.subf %get3A_1, %add3A_76 : vector<1024x64xf32>
    %integer_pow3A = arith.mulf %sub3A_85, %sub3A_85 : vector<1024x64xf32>
    %reduce_sum3A_86 = arith.constant dense<0.000000e+00> : vector<1024xf32>
    %reduce_sum3A_87 = vector.multi_reduction <add>, %integer_pow3A, %reduce_sum3A_86 [1] : vector<1024x64xf32> to vector<1024xf32>
    %broadcast_in_dim3A_88 = vector.shape_cast %reduce_sum3A_87 : vector<1024xf32> to vector<1024x1xf32>
    %sqrt3A = math.sqrt %broadcast_in_dim3A_88 : vector<1024x1xf32>
    %sub3A_89 = arith.subf %get3A_1, %add3A_84 : vector<1024x64xf32>
    %integer_pow3A_90 = arith.mulf %sub3A_89, %sub3A_89 : vector<1024x64xf32>
    %reduce_sum3A_91 = arith.constant dense<0.000000e+00> : vector<1024xf32>
    %reduce_sum3A_92 = vector.multi_reduction <add>, %integer_pow3A_90, %reduce_sum3A_91 [1] : vector<1024x64xf32> to vector<1024xf32>
    %broadcast_in_dim3A_93 = vector.shape_cast %reduce_sum3A_92 : vector<1024xf32> to vector<1024x1xf32>
    %sqrt3A_94 = math.sqrt %broadcast_in_dim3A_93 : vector<1024x1xf32>
    %lt3A = arith.cmpf olt, %sqrt3A_94, %sqrt3A : vector<1024x1xf32>
    %eq3A_95 = arith.cmpf oeq, %sqrt3A_94, %sqrt3A : vector<1024x1xf32>
    %lt3A_96 = arith.cmpi slt, %broadcast_in_dim3A_59, %broadcast_in_dim3A_43 : vector<1024x1xi32>
    %and3A = arith.andi %eq3A_95, %lt3A_96 : vector<1024x1xi1>
    %or3A = arith.ori %lt3A, %and3A : vector<1024x1xi1>
    %select_n3A_97 = arith.select %or3A, %broadcast_in_dim3A_59, %broadcast_in_dim3A_43 : vector<1024x1xi1>, vector<1024x1xi32>
    %swap3A = arith.constant 0 : index
    %swap3A_98 = arith.constant 0 : index
    %swap3A_99 = vector.load %arg3[%swap3A, %swap3A_98] : memref<1024x1xi32, #tpu.memory_space<vmem>>, vector<1024x1xi32>
    tpu.vector_store %arg3[%swap3A, %swap3A_98], %select_n3A_97 {strides = array<i32>} : memref<1024x1xi32, #tpu.memory_space<vmem>>, vector<1024x1xi32>,
    return
  }
  func.func @transform_0(%arg0: i32) -> (i32, i32) {
    %c0_i32 = arith.constant 0 : i32
    %c0_i32_0 = arith.constant 0 : i32
    return %arg0, %c0_i32 : i32, i32
  }
  func.func @transform_1(%arg0: i32) -> (i32, i32) {
    %c0_i32 = arith.constant 0 : i32
    %c0_i32_0 = arith.constant 0 : i32
    %c0_i32_1 = arith.constant 0 : i32
    return %c0_i32, %c0_i32_0 : i32, i32
  }
  func.func @transform_2(%arg0: i32) -> (i32, i32) {
    %c0_i32 = arith.constant 0 : i32
    %c0_i32_0 = arith.constant 0 : i32
    return %arg0, %c0_i32 : i32, i32
  }
}

</mosaic_0001>

<sc_bundles>
// kernel: kernel.4.cloned.1.call-start
scs
__scs_entry_jumppad:
0x0: {  	(pc) =	sbr.rel $0x88, $3  }
0x1: {  	(tag) =	ssettag $0x0;
	lr =	simm.s32 $0x1  }
0x2: {  	[smem:$0x3F9F] =	sst lr;
	_ =	strace $0xD0000000  }
0x3: {  	_ = 	snop  }
0x4: {  	_ = 	snop  }
0x5: {  	_ = 	snop  }
0x6: {  	_ = 	snop  }
0x7: {  	_ = 	snop  }
__scs_overlays_trampoline_lowered:
0x8: {  	[smem:$0x3FAE] =	sst s0  }
0x9: {  	[smem:$0x3FAF] =	sst s1  }
0xa: {  	[smem:$0x3FB0] =	sst s2  }
0xb: {  	[smem:$0x3FB1] =	sst s3  }
0xc: {  	[smem:$0x3FB2] =	sst s4  }
0xd: {  	[smem:$0x3FB3] =	sst s5  }
0xe: {  	[smem:$0x3FB4] =	sst s6  }
0xf: {  	[smem:$0x3FB5] =	sst s7  }
0x10: {  	[smem:$0x3FB6] =	sst s8  }
0x11: {  	[smem:$0x3FB7] =	sst s9;
	s0 =	simm.s32 @!p0 $0x0  }
0x12: {  	s1 =	sld [smem:$0x3F9D];
	s0 =	simm.s32 @p0 $0x1  }
0x13: {  	[smem:$0x3FB8] =	sst s0;
	s0 =	simm.s32 @!p1 $0x0  }
0x14: {  	s2 =	sld [smem:$0x3F9C];
	s0 =	simm.s32 @p1 $0x1  }
0x15: {  	[smem:$0x3FB9] =	sst s0;
	s0 =	simm.s32 @!p2 $0x0  }
0x16: {  	s3 =	sld [smem:$0x3FDB];
	s0 =	simm.s32 @p2 $0x1  }
0x17: {  	s4 =	simm.s32 $0x1BF5;
	[smem:$0x3FBB] =	sst s0  }
0x18: {  	s0 =	sld [smem:$0x3F9E];
	_ =	swait.ge [sflag:s4], $0x0  }
0x19: {  	s7 =	sld [smem:$0x3F9F]  }
0x1a: {  	s8 =	sadd.s32 $0xFFFFE003, lr  }
0x1b: {  	s9 =	sadd.s32 $0xFFFFFEF7, lr;
	s5 =	simm.s32 $0xFFFFFFFF;
	p2 =	slt.u32 s8, $0xFFFFF086  }
0x1c: {  	p1 =	slt.u32 s9, $0xF7A;
	s5 =	simm.s32 @!p2 $0x0  }
0x1d: {  	s5 =	simm.s32 @p1 $0x1;
	p0 =	seq.s32 s7, s2  }
0x1e: {  	s7 =	smul.u32 @!p0 $0xF7A, s2;
	p2 =	seq.s32 @!p0 s5, $0x0  }
0x1f: {  	s9 =	smul.u32 $0xF7A, s1;
	s8 =	simm.s32 @!p0 $0x1BF5;
	p2 =	por !p2, p0  }
0x20: {  	[sflag:s8] =	ssyncset.s32 @!p0 $0xFFFFF086;
	s6 =	sadd.s32 @!p0 s3, s7;
	s7 =	simm.s32 @!p0 $0x108  }
0x21: {  	s3 =	sadd.s32 s3, s9;
	s6 =	sadd.s32 @!p0 $0x88, s6;
	s7 =	simm.s32 @p2 $0x1082  }
0x22: {  	[simem:s7], [sflag:s8] =	dma.local @!p0 [hbm:s6], $0xF7A  }
0x23: {  	s9 =	sor.u32 $0xD0000000, s2;
	s6 =	simm.s32 $0x108;
	_ =	swait.ge @!p0 [sflag:s8], $0x0  }
0x24: {  	s3 =	sadd.s32 $0x88, s3;
	s6 =	simm.s32 @!p1 $0x1082;
	[sflag:s4] =	ssyncset.s32 $0xFFFFF086  }
0x25: {  	[simem:s6], [sflag:s4] =	dma.local [hbm:s3], $0xF7A  }
0x26: {  	[smem:$0x3F9F] =	sst s1;
	(tag) =	ssettag s2;
	_ =	strace s9  }
0x27: {  	s1 =	sld [smem:$0x3FAF]  }
0x28: {  	s2 =	sld [smem:$0x3FB0]  }
0x29: {  	s4 =	sld [smem:$0x3FB2]  }
0x2a: {  	p0 =	seq.s32 s5, $0x0;
	s5 =	sld [smem:$0x3FB3]  }
0x2b: {  	s6 =	sld [smem:$0x3FB4]  }
0x2c: {  	s7 =	sld [smem:$0x3FB5]  }
0x2d: {  	s3 =	simm.s32 $0x108;
	s8 =	sld [smem:$0x3FB6]  }
0x2e: {  	s3 =	simm.s32 @!p0 $0x1082;
	s9 =	sld [smem:$0x3FB7]  }
0x2f: {  	lr =	sadd.s32 s0, s3;
	s0 =	sld [smem:$0x3FAE]  }
0x30: {  	s3 =	sld [smem:$0x3FB1]  }
0x31: {  	[smem:$0x3FBA] =	sst s10  }
0x32: {  	s10 =	sld [smem:$0x3FB8];
	_ =	sdelay $0x3  }
0x33: {  	p0 =	seq.s32 s10, $0x1;
	s10 =	sld [smem:$0x3FBA];
	_ =	sdelay $0x3  }
0x34: {  	[smem:$0x3FBA] =	sst s10  }
0x35: {  	s10 =	sld [smem:$0x3FB9];
	_ =	sdelay $0x3  }
0x36: {  	p1 =	seq.s32 s10, $0x1;
	s10 =	sld [smem:$0x3FBA];
	_ =	sdelay $0x3  }
0x37: {  	[smem:$0x3FBA] =	sst s10  }
0x38: {  	s10 =	sld [smem:$0x3FBB]  }
0x39: {  	_ = 	snop;
	(pc) =	sbr.ind lr, $3  }
0x3a: {  	_ = 	snop  }
0x3b: {  	_ = 	snop  }
0x3c: {  	p2 =	seq.s32 s10, $0x1;
	s10 =	sld [smem:$0x3FBA]  }
0x3d: {  	_ =	shalt  }
0x3e: {  	_ =	shalt  }
0x3f: {  	_ =	shalt  }
0x40: {  	_ =	shalt  }
0x41: {  	_ =	shalt  }
0x42: {  	_ =	shalt  }
0x43: {  	_ =	shalt  }
0x44: {  	_ =	shalt  }
0x45: {  	_ =	shalt  }
0x46: {  	_ =	shalt  }
0x47: {  	_ =	shalt  }
0x48: {  	_ =	shalt  }
0x49: {  	_ =	shalt  }
0x4a: {  	_ =	shalt  }
0x4b: {  	_ =	shalt  }
0x4c: {  	_ =	shalt  }
0x4d: {  	_ =	shalt  }
0x4e: {  	_ =	shalt  }
0x4f: {  	_ =	shalt  }
0x50: {  	_ =	shalt  }
0x51: {  	_ =	shalt  }
0x52: {  	_ =	shalt  }
0x53: {  	_ =	shalt  }
0x54: {  	_ =	shalt  }
0x55: {  	_ =	shalt  }
0x56: {  	_ =	shalt  }
0x57: {  	_ =	shalt  }
0x58: {  	_ =	shalt  }
0x59: {  	_ =	shalt  }
0x5a: {  	_ =	shalt  }
0x5b: {  	_ =	shalt  }
0x5c: {  	_ =	shalt  }
0x5d: {  	_ =	shalt  }
0x5e: {  	_ =	shalt  }
0x5f: {  	_ =	shalt  }
0x60: {  	_ =	shalt  }
0x61: {  	_ =	shalt  }
0x62: {  	_ =	shalt  }
0x63: {  	_ =	shalt  }
0x64: {  	_ =	shalt  }
0x65: {  	_ =	shalt  }
0x66: {  	_ =	shalt  }
0x67: {  	_ =	shalt  }
0x68: {  	_ =	shalt  }
0x69: {  	_ =	shalt  }
0x6a: {  	_ =	shalt  }
0x6b: {  	_ =	shalt  }
0x6c: {  	_ =	shalt  }
0x6d: {  	_ =	shalt  }
0x6e: {  	_ =	shalt  }
0x6f: {  	_ =	shalt  }
0x70: {  	_ =	shalt  }
0x71: {  	_ =	shalt  }
0x72: {  	_ =	shalt  }
0x73: {  	_ =	shalt  }
0x74: {  	_ =	shalt  }
0x75: {  	_ =	shalt  }
0x76: {  	_ =	shalt  }
0x77: {  	_ =	shalt  }
0x78: {  	_ =	shalt  }
0x79: {  	_ =	shalt  }
0x7a: {  	_ =	shalt  }
0x7b: {  	_ =	shalt  }
0x7c: {  	_ =	shalt  }
0x7d: {  	_ =	shalt  }
0x7e: {  	_ =	shalt  }
0x7f: {  	_ =	shalt  }
0x80: {  	_ =	shalt  }
0x81: {  	_ =	shalt  }
0x82: {  	_ =	shalt  }
0x83: {  	_ =	shalt  }
0x84: {  	_ =	shalt  }
0x85: {  	_ =	shalt  }
0x86: {  	_ =	shalt  }
0x87: {  	_ =	shalt  }
.Lfunc_end0:
.L_simem_size_0:
called_computation_lowered:
.L_overlay_start_0:
0x88: {  	s2 =	sld [smem:$0x3FD9]  }
0x89: {  	s3 =	sld [smem:$0x3FFE];
	_ =	sdelay $0x1  }
0x8a: {  	s1 =	srdreg.scid  }
0x8b: {  	s0 =	sand.u32 $0x1, s1  }
0x8c: {  	s14 =	sshll.u32 s0, $0xA;
	s2 =	sadd.s32 s3, s2  }
0x8d: {  	s2 =	sadd.s32 s2, s14  }
0x8e: {  	[smem:$0x3FC6] =	sst s2  }
0x8f: {  	_ = 	snop  }
0x90: {  	s2 =	sld [smem:$0x3FD0];
	_ =	sdelay $0x2  }
0x91: {  	s15 =	simm.s32 $0xA;
	s4 =	simm.s32 $0x10  }
0x92: {  	[smem:s4], [sflag:s15] =	dma.local [hbm:s2], $0x1  }
0x93: {  	_ =	swait.eq [sflag:s15], $0x1  }
0x94: {  	[sflag:s15] =	ssyncset.done $0x0  }
0x95: {  	[sflag:s15] =	ssyncadd.s32 $0xFFFFFFFF  }
0x96: {  	s16 =	sld [smem:$0x10];
	(tm) =	ssettm $0x1  }
0x97: {  	s17 =	sld [smem:$0x3FFB];
	_ =	sdelay $0x3  }
0x98: {  	_ =	strace s17  }
0x99: {  	s3 =	sld [smem:$0x3FFC];
	_ =	sdelay $0x3  }
0x9a: {  	_ =	strace s3  }
0x9b: {  	s3 =	sld [smem:$0x3FFD];
	_ =	sdelay $0x3  }
0x9c: {  	_ =	strace s3  }
0x9d: {  	_ =	strace $0x8FFFFFFF  }
0x9e: {  	s18 =	sld [smem:$0x3FDB];
	_ =	sdelay $0x1  }
0x9f: {  	s19 =	simm.s32 $_scs_section_size  }
0xa0: {  	s5 =	simm.s32 $_size__tile_overlayer_lowered;
	s6 =	simm.s32 $_tile_overlayer_lowered  }
0xa1: {  	s22 =	simm.s32 $0x1BFF;
	s21 =	sshll.u32 s6, $0x1;
	s3 =	sadd.s32 s19, s18  }
0xa2: {  	s7 =	simm.s32 $0x0;
	s20 =	sshll.u32 s5, $0x1;
	s5 =	sadd.s32 s21, s3  }
0xa3: {  	[timem:s7], [sflag:s22] =	dma.local [hbm:s5], s20  }
0xa4: {  	_ =	swait.ge [sflag:s22], s20  }
0xa5: {  	s4 =	ssub.s32 $0x0, s20;
	[sflag:s22] =	ssyncset.done $0x0  }
0xa6: {  	[sflag:s22] =	ssyncadd.s32 s4;
	_ =	sdelay $0x1  }
0xa7: {  	s23 =	simm.s32 $0x1B8B  }
0xa8: {  	_ =	swait.ge [sflag:s23], $0x1  }
0xa9: {  	[sflag:s23] =	ssyncset.done $0x0  }
0xaa: {  	s25 =	simm.s32 $0x1B8E;
	s24 =	sld [smem:$0x3FFE];
	[sflag:s23] =	ssyncadd.s32 $0xFFFFFFFF  }
0xab: {  	s26 =	simm.s32 $execute0_lowered;
	[smem:$0x3FD2] =	sst s25  }
0xac: {  	s5 =	sshll.u32 s26, $0x1;
	_ =	strace $0x80000046;
	[dreg:$0x1] =	wrdreg $0xFFFFFFFF  }
0xad: {  	s28 =	simm.s32 $_size_execute0_lowered;
	s3 =	sadd.s32 s3, s5;
	[dreg:$0x0] =	wrdreg $0x0  }
0xae: {  	s5 =	sshll.u32 s28, $0x1;
	[dreg:$0x2] =	wrdreg s3  }
0xaf: {  	[dreg:$0x3] =	wrdreg s5  }
0xb0: {  	[dreg:$0x4] =	wrdreg $0xC0  }
0xb1: {  	_ =	task [dreg:s7], $0x5FFFF  }
0xb2: {  	[dreg:$0x1] =	wrdreg $0xFFFFFFFF  }
0xb3: {  	[dreg:$0x0] =	wrdreg $0x60  }
0xb4: {  	[dreg:$0x2] =	wrdreg s16  }
0xb5: {  	[dreg:$0x3] =	wrdreg s24  }
0xb6: {  	[dreg:$0x4] =	wrdreg $0x9  }
0xb7: {  	_ =	task.clear_ibuf [dreg:s7], $0x5FFFF;
	_ =	strace $0x90000046  }
0xb8: {  	s29 =	simm.s32 $0x9;
	_ =	strace $0x80000048  }
0xb9: {  	_ =	swait.ge [sflag:s29], $0x1  }
0xba: {  	[sflag:s29] =	ssyncadd.s32 $0xFFFFFFFF  }
0xbb: {  	_ =	strace $0x90000048  }
0xbc: {  	_ =	sfence  }
0xbd: {  	s30 =	sld [smem:$0x0];
	_ =	sdelay $0x2  }
0xbe: {  	s31 =	sshll.u32 s1, $0xD;
	s1 =	sshrl.u32 s1, $0x2  }
0xbf: {  	s3 =	sand.u32 $0x4000, s31;
	s1 =	sadd.s32 s1, s30  }
0xc0: {  	s0 =	sor.u32 s3, s0;
	s1 =	sshll.u32 s1, $0x11  }
0xc1: {  	s0 =	sor.u32 s1, s0  }
0xc2: {  	s0 =	sadd.s32 $0x8F2B, s0  }
0xc3: {  	[sflag:s0] =	ssyncadd.remote.s32 $0x1  }
0xc4: {  	_ =	sfence.sel $0xFFFF  }
0xc5: {  	[dreg:$0x0] =	wrdreg $0xFFFFFFFF;
	(pc) =	sbr.abs _section_cstart, $3  }
0xc6: {  	[dreg:$0x1] =	wrdreg $0xFFFFFFFF  }
0xc7: {  	_ =	task.clear_ibuf [dreg:s7], $0x2FFFF;
	_ =	strace $0x9FFFFFFF  }
0xc8: {  	(tm) =	ssettm $0x7FFFFFFF  }
0xc9: {  	_ =	shalt  }
tec
execute0_lowered:
.L_overlay_start_1:
0x0: {  	(tag) =	ssettag $0x1  }
0x1: {  	s1 =	srdreg.scid  }
0x2: {  	s0 =	stileid.u32;
	s6 =	sand.u32 $0x1, s1  }
0x3: {  	s2 =	rddreg [dreg:$0x0];
	s30 =	sshll.u32 s0, $0x6;
	s3 =	sshll.u32 s6, $0x5  }
0x4: {  	s7 =	rddreg [dreg:$0x1];
	s8 =	sor.u32 s3, s30  }
0x5: {  	s1 =	rddreg [dreg:$0x2];
	s3 =	simm.s32 $0x0;
	s4 =	sshrl.u32 s8, $0x3  }
0x6: {  	s5 =	simm.s32 $0x1;
	[smem:$0x7FF] =	sst s3;
	s4 =	sadd.s32 s4, s7  }
0x7: {  	s9 =	ssub.s32 $0x2, s6;
	_ =	strace $0x80000047;
	s4 =	sadd.s32 $0x400, s4  }
0x8: {  	[tilespmem:s3], [sflag:$0x1] =	stream.linear.gather [hbm4b:s4+s3], $0x20, $0x38;
	[tilespmem:$0x820] =	vst v63  }
0x9: {  	s31 =	sshrl.u32 s9, $0x1;
	s8 =	sshll.u32 s8, $0x3;
	_ =	swait.ge [sflag:s5], $0x20  }
0xa: {  	s7 =	sadd.s32 s8, s7;
	s8 =	ssub.s32 s9, s31;
	[sflag:s5] =	ssyncset.done $0x0  }
0xb: {  	s6 =	simm.s32 $0x20;
	s9 =	smax.u32 s8, $0x1;
	[sflag:s5] =	ssyncadd.s32 $0xFFFFFFE0  }
0xc: {  	[tilespmem:s6], [sflag:$0x1] =	stream.indirect.gather [hbm4b:s2+s6], $0x40, s3, s6, $0xb8;
	[tilespmem:$0x820] =	vst v63  }
0xd: {  	p0 =	sne.s32 s9, $0x1;
	_ =	swait.ge [sflag:s5], $0x800  }
.Ltmp0:
0xe: {  	[sflag:s5] =	ssyncset.done $0x0;
	(pc) =	sbr.rel @!p0 .LBB2_2-.Ltmp0, $4  }
0xf: {  	s7 =	sadd.s32 $0x600, s7;
	s8 =	simm.s32 $0x2;
	[sflag:s5] =	ssyncadd.s32 $0xFFFFF800  }
0x10: {  	[hbm4b:s7+s3] =	stream.linear.scatter [tilespmem:s6], [sflag:$0x2], $0x800, $0x38;
	[tilespmem:$0x820] =	vst v63  }
0x11: {  	_ =	swait.ge [sflag:s8], $0x800  }
0x12: {  	s9 =	sadd.s32 $0xFFFFFFFF, s9;
	[sflag:s8] =	ssyncset.done $0x0  }
.LBB2_1:
0x13: {  	p0 =	sne.s32 s9, $0x1;
	s9 =	sadd.s32 $0xFFFFFFFF, s9;
	[sflag:s8] =	ssyncadd.s32 $0xFFFFF800  }
0x14: {  	[tilespmem:s3], [sflag:$0x1] =	stream.linear.gather [hbm4b:s4+s3], $0x20, $0x38;
	[tilespmem:$0x820] =	vst v63  }
0x15: {  	_ =	swait.ge [sflag:s5], $0x20  }
0x16: {  	[sflag:s5] =	ssyncset.done $0x0  }
0x17: {  	[sflag:s5] =	ssyncadd.s32 $0xFFFFFFE0  }
0x18: {  	[tilespmem:s6], [sflag:$0x1] =	stream.indirect.gather [hbm4b:s2+s6], $0x40, s3, s6, $0xb8;
	[tilespmem:$0x820] =	vst v63  }
0x19: {  	_ =	swait.ge [sflag:s5], $0x800  }
.Ltmp1:
0x1a: {  	[sflag:s5] =	ssyncset.done $0x0;
	(pc) =	sbr.rel @p0 .LBB2_1-.Ltmp1, $4  }
0x1b: {  	[sflag:s5] =	ssyncadd.s32 $0xFFFFF800  }
0x1c: {  	[hbm4b:s7+s3] =	stream.linear.scatter [tilespmem:s6], [sflag:$0x2], $0x800, $0x38;
	[tilespmem:$0x820] =	vst v63  }
0x1d: {  	_ =	swait.ge [sflag:s8], $0x800  }
0x1e: {  	[sflag:s8] =	ssyncset.done $0x0  }
.LBB2_2:
0x1f: {  	[sflag:s8] =	ssyncadd.s32 $0xFFFFF800  }
0x20: {  	_ =	sfence.sel $0x180000  }
0x21: {  	[bflag:$0x0] =	sbarrier.arrive $0xFFFF  }
0x22: {  	p0 =	sne.s32 s0, $0x0;
	_ =	strace $0x90000047  }
0x23: {  	s0 =	sadd.s32 @!p0 $0x100000, s1;
	[bflag:$0x2] =	sbarrier.arrive $0xFFFF  }
0x24: {  	[sflag:s0] =	ssyncadd.tile.s32 @!p0 $0x1;
	_ =	shalt  }
.Lfunc_end2:
_tile_overlayer_lowered:
.L_overlay_start_2:
0x25: {  	(tag) =	ssettag $0x2  }
0x26: {  	s0 =	rddreg [dreg:$0x0];
	s2 =	stileid.u32  }
0x27: {  	s1 =	rddreg [dreg:$0x1];
	p0 =	sne.s32 s2, $0x0  }
0x28: {  	s3 =	rddreg [dreg:$0x2];
	[bflag:$0x3] =	sbarrier.arrive $0xFFFF;
	s2 =	simm.s32 @!p0 $0x1C02  }
0x29: {  	[timem:s3], [sflag:s2] =	dma.local @!p0 [hbm:s0], s1  }
0x2a: {  	s0 =	simm.s32 @!p0 $0x2  }
0x2b: {  	_ =	swait.ge @!p0 [sflag:s0], s1  }
0x2c: {  	s1 =	ssub.s32 @!p0 $0x0, s1;
	[sflag:s0] =	ssyncset.done @!p0 $0x0  }
0x2d: {  	[sflag:s0] =	ssyncadd.s32 @!p0 s1  }
0x2e: {  	[bflag:$0x3] =	sbarrier.arrive $0xFFFF  }
0x2f: {  	_ =	shalt  }

</sc_bundles>
